<compile_context>
chip_gen: v7x
topology: tpu7x:2x2x1
jax: 0.10.2.dev20260603
libtpu: 0.0.44.dev20260713+nightly
codegen_flags: <defaults>
</compile_context>

<pallas_src>
import functools

import jax
import jax.numpy as jnp
from jax import lax
from jax.experimental import pallas as pl
from jax.experimental.pallas import tpu as pltpu
from jax.experimental.pallas import tpu_sc as plsc

_NUM_CORES = 2
_NUM_SUBCORES = 16
_LANES = 16

_LOG2E = 1.4426950408889634


def _sc_xe(x, edge_types, mul_tbl, bias_tbl):
    e_total = x.shape[0]
    t = mul_tbl.shape[0]
    nw = _NUM_CORES * _NUM_SUBCORES
    chunk = e_total // nw
    assert e_total % nw == 0 and chunk % _LANES == 0 and chunk % 8 == 0

    mesh = plsc.VectorSubcoreMesh(
        core_axis_name="c", subcore_axis_name="s",
        num_cores=_NUM_CORES, num_subcores=_NUM_SUBCORES)

    @functools.partial(
        pl.kernel,
        out_type=jax.ShapeDtypeStruct((e_total,), jnp.float32),
        mesh=mesh,
        scratch_types=[
            pltpu.VMEM((chunk,), jnp.int32),
            pltpu.VMEM((chunk,), jnp.float32),
            pltpu.VMEM((chunk,), jnp.float32),
            pltpu.VMEM((t,), jnp.float32),
            pltpu.VMEM((t,), jnp.float32),
            pltpu.SemaphoreType.DMA,
            pltpu.SemaphoreType.DMA,
            pltpu.SemaphoreType.DMA,
            pltpu.SemaphoreType.DMA,
        ],
        compiler_params=pltpu.CompilerParams(needs_layout_passes=False),
    )
    def body(x_hbm, et_hbm, mul_hbm, bias_hbm, xe_hbm,
             idx_v, x_v, xe_v, mul_v, bias_v, sem0, sem1, sem2, sem3):
        wid = lax.axis_index("s") * _NUM_CORES + lax.axis_index("c")
        base = wid * chunk
        c0 = pltpu.async_copy(mul_hbm, mul_v, sem0)
        c1 = pltpu.async_copy(bias_hbm, bias_v, sem1)
        c2 = pltpu.async_copy(et_hbm.at[pl.ds(base, chunk)], idx_v, sem2)
        c3 = pltpu.async_copy(x_hbm.at[pl.ds(base, chunk)], x_v, sem3)
        c0.wait()
        c1.wait()
        c2.wait()
        c3.wait()

        @plsc.parallel_loop(0, chunk // _LANES, unroll=8)
        def step(i):
            s = pl.ds(i * _LANES, _LANES)
            idx = idx_v[s]
            m = plsc.load_gather(mul_v, [idx])
            b = plsc.load_gather(bias_v, [idx])
            xe_v[s] = m * x_v[s] + b

        pltpu.sync_copy(xe_v, xe_hbm.at[pl.ds(base, chunk)])

    return body(x, edge_types, mul_tbl, bias_tbl)


def _tc_rbf_body(means_ref, temps_ref, xe_ref, out_ref):
    m = means_ref[...]
    nt = jnp.abs(temps_ref[...]) * (-_LOG2E)
    xe = xe_ref[0]
    hi = xe.astype(jnp.bfloat16).astype(jnp.float32)
    r1 = xe - hi
    mid = r1.astype(jnp.bfloat16).astype(jnp.float32)
    lo = r1 - mid
    lhs = jnp.concatenate([hi, mid, lo], axis=0)
    ones3 = jnp.ones((3, m.shape[1]), jnp.float32)
    xe_b = lax.dot_general(lhs, ones3, (((0,), (0,)), ((), ())),
                           preferred_element_type=jnp.float32)
    d = xe_b - m
    out_ref[...] = jnp.exp2(d * d * nt)


def _tc_rbf(xe, means, temps, block_e):
    e_total = xe.shape[0]
    k = means.shape[0]
    assert e_total % block_e == 0
    grid = (e_total // block_e,)
    return pl.pallas_call(
        _tc_rbf_body,
        grid=grid,
        in_specs=[
            pl.BlockSpec((1, k), lambda i: (0, 0)),
            pl.BlockSpec((1, k), lambda i: (0, 0)),
            pl.BlockSpec((1, 1, block_e), lambda i: (i, 0, 0)),
        ],
        out_specs=pl.BlockSpec((block_e, k), lambda i: (i, 0)),
        out_shape=jax.ShapeDtypeStruct((e_total, k), jnp.float32),
        compiler_params=pltpu.CompilerParams(
            dimension_semantics=("arbitrary",),
        ),
    )(means.reshape(1, k), temps.reshape(1, k),
      xe.reshape(e_total // block_e, 1, block_e))


def kernel(x, edge_types, means, temps, mul_weight, bias_weight):
    et = edge_types.astype(jnp.int32)
    mul_tbl = mul_weight.reshape(-1).astype(jnp.float32)
    bias_tbl = bias_weight.reshape(-1).astype(jnp.float32)
    xe = _sc_xe(x.astype(jnp.float32), et, mul_tbl, bias_tbl)
    out = _tc_rbf(xe, means.astype(jnp.float32), temps.astype(jnp.float32),
                  block_e=32000)
    return out.astype(means.dtype)

# --- scband reference (transcript-rebuilt; emitter-appended) ---
"""Pipeline reference for scband-rbf-15616501088370 (READ-ONLY COPY).

The authoritative reference and input builder live on the scoring server;
editing this copy changes nothing except your own understanding.
"""

import jax, jax.numpy as jnp
import numpy as np

E = 320000
K = 128
T = 1024


def setup_inputs(seed: int = 0) -> dict:
    key = jax.random.key(seed)
    k1, k2, k3, k4 = jax.random.split(key, 4)
    x = jax.random.normal(k1, (E,), dtype=jnp.float32)
    edge_types = jax.random.randint(k2, (E,), 0, T, dtype=jnp.int64 if jax.config.jax_enable_x64 else jnp.int32)
    means = jax.random.uniform(k3, (K,), dtype=jnp.float32, minval=0.0, maxval=3.0)
    temps = jax.random.uniform(k4, (K,), dtype=jnp.float32, minval=0.1, maxval=10.0)
    mul_weight = jnp.ones((T, 1), dtype=jnp.float32)
    bias_weight = jnp.zeros((T, 1), dtype=jnp.float32)
    return {
        "x": x,
        "edge_types": edge_types,
        "means": means,
        "temps": temps,
        "mul_weight": mul_weight,
        "bias_weight": bias_weight,
    }


def reference(x, edge_types, means, temps, mul_weight, bias_weight):
    # embedding lookups (SparseCore gathers)
    mul = jnp.take(mul_weight, edge_types, axis=0)    # [E, 1]
    bias = jnp.take(bias_weight, edge_types, axis=0)  # [E, 1]
    xe = mul * x[..., None] + bias                    # [E, 1]
    mean = means.astype(jnp.float32)                  # [K]
    temp = jnp.abs(temps.astype(jnp.float32))         # [K]
    out = jnp.exp(-jnp.square(xe - mean) * temp)      # [E, K]
    return out.astype(means.dtype)

if __name__ == "__main__":
    import jax
    _d = setup_inputs()
    print(jax.jit(kernel)(*tuple(_d.values())))

</pallas_src>

<mosaic_0001>
#map = affine_map<(d0, d1) -> (0)>
module attributes {stable_mosaic.version = 14 : i64} {
  func.func @body(%arg0: i32, %arg1: i32, %arg2: memref<320000xf32, #tpu.memory_space<hbm>>, %arg3: memref<320000xi32, #tpu.memory_space<hbm>>, %arg4: memref<1024xf32, #tpu.memory_space<hbm>>, %arg5: memref<1024xf32, #tpu.memory_space<hbm>>, %arg6: memref<320000xf32, #tpu.memory_space<hbm>>, %arg7: memref<10000xi32, #tpu.memory_space<vmem>>, %arg8: memref<10000xf32, #tpu.memory_space<vmem>>, %arg9: memref<10000xf32, #tpu.memory_space<vmem>>, %arg10: memref<1024xf32, #tpu.memory_space<vmem>>, %arg11: memref<1024xf32, #tpu.memory_space<vmem>>, %arg12: memref<!tpu.dma_semaphore, #tpu.memory_space<semaphore_mem>>, %arg13: memref<!tpu.dma_semaphore, #tpu.memory_space<semaphore_mem>>, %arg14: memref<!tpu.dma_semaphore, #tpu.memory_space<semaphore_mem>>, %arg15: memref<!tpu.dma_semaphore, #tpu.memory_space<semaphore_mem>>) attributes {dimension_semantics = [#tpu.dimension_semantics<core_parallel>, #tpu.dimension_semantics<subcore_parallel>], iteration_bounds = array<i64: 2, 16>, scalar_prefetch = 0 : i64, scratch_operands = 9 : i64, tpu.core_type = #tpu.core_type<sc_vector_subcore>, window_params = [{transform_indices = #map}, {transform_indices = #map}, {transform_indices = #map}, {transform_indices = #map}, {transform_indices = #map}]} {
    %mul3A = arith.constant 2 : i32
    %mul3A_0 = arith.muli %arg1, %mul3A : i32
    %add3A = arith.addi %mul3A_0, %arg0 : i32
    %mul3A_1 = arith.constant 10000 : i32
    %mul3A_2 = arith.muli %add3A, %mul3A_1 : i32
    tpu.enqueue_dma source(%arg4 : memref<1024xf32, #tpu.memory_space<hbm>>) target(%arg10 : memref<1024xf32, #tpu.memory_space<vmem>>) target_semaphore(%arg12 : memref<!tpu.dma_semaphore, #tpu.memory_space<semaphore_mem>>)
    tpu.enqueue_dma source(%arg5 : memref<1024xf32, #tpu.memory_space<hbm>>) target(%arg11 : memref<1024xf32, #tpu.memory_space<vmem>>) target_semaphore(%arg13 : memref<!tpu.dma_semaphore, #tpu.memory_space<semaphore_mem>>)
    %dma_start3A = tpu.memref_slice %arg3[%mul3A_2] : memref<320000xi32, #tpu.memory_space<hbm>> -> memref<10000xi32, #tpu.memory_space<hbm>>
    %dma_start3A_3 = tpu.memref_slice %arg3[%mul3A_2] : memref<320000xi32, #tpu.memory_space<hbm>> -> memref<10000xi32, #tpu.memory_space<hbm>>
    tpu.enqueue_dma source(%dma_start3A_3 : memref<10000xi32, #tpu.memory_space<hbm>>) target(%arg7 : memref<10000xi32, #tpu.memory_space<vmem>>) target_semaphore(%arg14 : memref<!tpu.dma_semaphore, #tpu.memory_space<semaphore_mem>>)
    %dma_start3A_4 = tpu.memref_slice %arg2[%mul3A_2] : memref<320000xf32, #tpu.memory_space<hbm>> -> memref<10000xf32, #tpu.memory_space<hbm>>
    %dma_start3A_5 = tpu.memref_slice %arg2[%mul3A_2] : memref<320000xf32, #tpu.memory_space<hbm>> -> memref<10000xf32, #tpu.memory_space<hbm>>
    tpu.enqueue_dma source(%dma_start3A_5 : memref<10000xf32, #tpu.memory_space<hbm>>) target(%arg8 : memref<10000xf32, #tpu.memory_space<vmem>>) target_semaphore(%arg15 : memref<!tpu.dma_semaphore, #tpu.memory_space<semaphore_mem>>)
    tpu.wait_dma2 semaphore(%arg12 : memref<!tpu.dma_semaphore, #tpu.memory_space<semaphore_mem>>) src(%arg4 : memref<1024xf32, #tpu.memory_space<hbm>>) dst(%arg10 : memref<1024xf32, #tpu.memory_space<vmem>>)
    tpu.wait_dma2 semaphore(%arg13 : memref<!tpu.dma_semaphore, #tpu.memory_space<semaphore_mem>>) src(%arg5 : memref<1024xf32, #tpu.memory_space<hbm>>) dst(%arg11 : memref<1024xf32, #tpu.memory_space<vmem>>)
    %dma_wait3A = tpu.memref_slice %arg3[%mul3A_2] : memref<320000xi32, #tpu.memory_space<hbm>> -> memref<10000xi32, #tpu.memory_space<hbm>>
    %dma_wait3A_6 = tpu.memref_slice %arg3[%mul3A_2] : memref<320000xi32, #tpu.memory_space<hbm>> -> memref<10000xi32, #tpu.memory_space<hbm>>
    tpu.wait_dma2 semaphore(%arg14 : memref<!tpu.dma_semaphore, #tpu.memory_space<semaphore_mem>>) src(%dma_wait3A_6 : memref<10000xi32, #tpu.memory_space<hbm>>) dst(%arg7 : memref<10000xi32, #tpu.memory_space<vmem>>)
    %dma_wait3A_7 = tpu.memref_slice %arg2[%mul3A_2] : memref<320000xf32, #tpu.memory_space<hbm>> -> memref<10000xf32, #tpu.memory_space<hbm>>
    %dma_wait3A_8 = tpu.memref_slice %arg2[%mul3A_2] : memref<320000xf32, #tpu.memory_space<hbm>> -> memref<10000xf32, #tpu.memory_space<hbm>>
    tpu.wait_dma2 semaphore(%arg15 : memref<!tpu.dma_semaphore, #tpu.memory_space<semaphore_mem>>) src(%dma_wait3A_8 : memref<10000xf32, #tpu.memory_space<hbm>>) dst(%arg8 : memref<10000xf32, #tpu.memory_space<vmem>>)
    %parallel_loop3A = arith.constant 0 : i32
    %parallel_loop3A_9 = arith.constant 625 : i32
    %parallel_loop3A_10 = arith.constant 1 : i32
    scf.for %parallel_loop3A_11 = %parallel_loop3A to %parallel_loop3A_9 step %parallel_loop3A_10  : i32 {
      %parallel_loop3A_12 = arith.constant 16 : i32
      %parallel_loop3A_13 = arith.muli %parallel_loop3A_11, %parallel_loop3A_12 : i32
      %parallel_loop3A_14 = arith.index_cast %parallel_loop3A_13 : i32 to index
      %parallel_loop3A_15 = tpu.vector_load %arg7[%parallel_loop3A_14] {strides = array<i32>} : memref<10000xi32, #tpu.memory_space<vmem>>, vector<16xi32>,
      %parallel_loop3A_16 = tpu.vector_load_idx %arg10[%parallel_loop3A_15] : memref<1024xf32, #tpu.memory_space<vmem>>[vector<16xi32>], vector<16xf32>,
      %parallel_loop3A_17 = tpu.vector_load_idx %arg11[%parallel_loop3A_15] : memref<1024xf32, #tpu.memory_space<vmem>>[vector<16xi32>], vector<16xf32>,
      %parallel_loop3A_18 = arith.index_cast %parallel_loop3A_13 : i32 to index
      %parallel_loop3A_19 = tpu.vector_load %arg8[%parallel_loop3A_18] {strides = array<i32>} : memref<10000xf32, #tpu.memory_space<vmem>>, vector<16xf32>,
      %parallel_loop3A_20 = arith.mulf %parallel_loop3A_16, %parallel_loop3A_19 : vector<16xf32>
      %parallel_loop3A_21 = arith.addf %parallel_loop3A_20, %parallel_loop3A_17 : vector<16xf32>
      %parallel_loop3A_22 = arith.index_cast %parallel_loop3A_13 : i32 to index
      %parallel_loop3A_23 = tpu.vector_load %arg9[%parallel_loop3A_22] {strides = array<i32>} : memref<10000xf32, #tpu.memory_space<vmem>>, vector<16xf32>,
      tpu.vector_store %arg9[%parallel_loop3A_22], %parallel_loop3A_21 {strides = array<i32>} : memref<10000xf32, #tpu.memory_space<vmem>>, vector<16xf32>,
    } {sc.loop_unroll_factor = 8 : i64, sc.parallel_access}
    "tpu.region"() ({
      %run_scoped3A = tpu.sem_alloc : memref<!tpu.dma_semaphore, #tpu.memory_space<semaphore_mem>>
      %dma_start3A_11 = tpu.memref_slice %arg6[%mul3A_2] : memref<320000xf32, #tpu.memory_space<hbm>> -> memref<10000xf32, #tpu.memory_space<hbm>>
      %dma_start3A_12 = tpu.memref_slice %arg6[%mul3A_2] : memref<320000xf32, #tpu.memory_space<hbm>> -> memref<10000xf32, #tpu.memory_space<hbm>>
      tpu.enqueue_dma source(%arg9 : memref<10000xf32, #tpu.memory_space<vmem>>) target(%dma_start3A_12 : memref<10000xf32, #tpu.memory_space<hbm>>) target_semaphore(%run_scoped3A : memref<!tpu.dma_semaphore, #tpu.memory_space<semaphore_mem>>)
      %dma_wait3A_13 = tpu.memref_slice %arg6[%mul3A_2] : memref<320000xf32, #tpu.memory_space<hbm>> -> memref<10000xf32, #tpu.memory_space<hbm>>
      %dma_wait3A_14 = tpu.memref_slice %arg6[%mul3A_2] : memref<320000xf32, #tpu.memory_space<hbm>> -> memref<10000xf32, #tpu.memory_space<hbm>>
      tpu.wait_dma2 semaphore(%run_scoped3A : memref<!tpu.dma_semaphore, #tpu.memory_space<semaphore_mem>>) src(%arg9 : memref<10000xf32, #tpu.memory_space<vmem>>) dst(%dma_wait3A_14 : memref<10000xf32, #tpu.memory_space<hbm>>)
      tpu.yield
    }) : () -> ()
    return
  }
}

module attributes {stable_mosaic.version = 14 : i64} {
  func.func @_tc_rbf_body(%arg0: i32, %arg1: memref<1x128xf32, #tpu.memory_space<vmem>>, %arg2: memref<1x128xf32, #tpu.memory_space<vmem>>, %arg3: memref<1x1x32000xf32, #tpu.memory_space<vmem>>, %arg4: memref<32000x128xf32, #tpu.memory_space<vmem>>) attributes {dimension_semantics = [#tpu.dimension_semantics<arbitrary>], iteration_bounds = array<i64: 10>, scalar_prefetch = 0 : i64, scratch_operands = 0 : i64, tpu.core_type = #tpu.core_type<tc>, window_params = [{pipeline_mode = #tpu.pipeline_mode<synchronous>, transform_indices = @transform_0, window_bounds = array<i64: 1, 128>}, {pipeline_mode = #tpu.pipeline_mode<synchronous>, transform_indices = @transform_1, window_bounds = array<i64: 1, 128>}, {transform_indices = @transform_2, window_bounds = array<i64: 1, 1, 32000>}, {transform_indices = @transform_3, window_bounds = array<i64: 32000, 128>}]} {
    %get3A = arith.constant 0 : index
    %get3A_0 = arith.constant 0 : index
    %get3A_1 = vector.load %arg1[%get3A, %get3A_0] : memref<1x128xf32, #tpu.memory_space<vmem>>, vector<1x128xf32>
    %get3A_2 = arith.constant 0 : index
    %get3A_3 = arith.constant 0 : index
    %get3A_4 = vector.load %arg2[%get3A_2, %get3A_3] : memref<1x128xf32, #tpu.memory_space<vmem>>, vector<1x128xf32>
    %abs3A = math.absf %get3A_4 : vector<1x128xf32>
    %mul3A = arith.constant -1.44269502 : f32
    %mul3A_5 = vector.broadcast %mul3A : f32 to vector<1x128xf32>
    %mul3A_6 = arith.mulf %abs3A, %mul3A_5 : vector<1x128xf32>
    %get3A_7 = arith.constant 0 : index
    %get3A_8 = arith.constant 0 : index
    %get3A_9 = arith.constant 0 : index
    %get3A_10 = vector.load %arg3[%get3A_7, %get3A_8, %get3A_9] : memref<1x1x32000xf32, #tpu.memory_space<vmem>>, vector<1x1x32000xf32>
    %get3A_11 = vector.shape_cast %get3A_10 : vector<1x1x32000xf32> to vector<1x32000xf32>
    %convert_element_type3A = arith.truncf %get3A_11 : vector<1x32000xf32> to vector<1x32000xbf16>
    %convert_element_type3A_12 = arith.extf %convert_element_type3A : vector<1x32000xbf16> to vector<1x32000xf32>
    %sub3A = arith.subf %get3A_11, %convert_element_type3A_12 : vector<1x32000xf32>
    %convert_element_type3A_13 = arith.truncf %sub3A : vector<1x32000xf32> to vector<1x32000xbf16>
    %convert_element_type3A_14 = arith.extf %convert_element_type3A_13 : vector<1x32000xbf16> to vector<1x32000xf32>
    %sub3A_15 = arith.subf %sub3A, %convert_element_type3A_14 : vector<1x32000xf32>
    %concatenate3A = tpu.concatenate %convert_element_type3A_12, %convert_element_type3A_14, %sub3A_15 in 0 : vector<1x32000xf32>, vector<1x32000xf32>, vector<1x32000xf32> -> vector<3x32000xf32>
    %broadcast_in_dim3A = arith.constant 1.000000e+00 : f32
    %broadcast_in_dim3A_16 = vector.broadcast %broadcast_in_dim3A : f32 to vector<3x128xf32>
    %dot_general3A = arith.constant dense<0.000000e+00> : vector<32000x128xf32>
    %dot_general3A_17 = tpu.matmul %concatenate3A, %broadcast_in_dim3A_16, %dot_general3A {dimension_numbers = #tpu.dot_dimension_numbers<[0], [0], [1], [1], [0, 1, 1, 1], [], []>, transpose_lhs_hint = false} : vector<3x32000xf32>, vector<3x128xf32>, vector<32000x128xf32> -> vector<32000x128xf32>
    %sub3A_18 = vector.broadcast %get3A_1 : vector<1x128xf32> to vector<32000x128xf32>
    %sub3A_19 = arith.subf %dot_general3A_17, %sub3A_18 : vector<32000x128xf32>
    %mul3A_20 = arith.mulf %sub3A_19, %sub3A_19 : vector<32000x128xf32>
    %mul3A_21 = vector.broadcast %mul3A_6 : vector<1x128xf32> to vector<32000x128xf32>
    %mul3A_22 = arith.mulf %mul3A_20, %mul3A_21 : vector<32000x128xf32>
    %exp23A = math.exp2 %mul3A_22 : vector<32000x128xf32>
    %swap3A = arith.constant 0 : index
    %swap3A_23 = arith.constant 0 : index
    %swap3A_24 = vector.load %arg4[%swap3A, %swap3A_23] : memref<32000x128xf32, #tpu.memory_space<vmem>>, vector<32000x128xf32>
    tpu.vector_store %arg4[%swap3A, %swap3A_23], %exp23A {strides = array<i32>} : memref<32000x128xf32, #tpu.memory_space<vmem>>, vector<32000x128xf32>,
    return
  }
  func.func @transform_0(%arg0: i32) -> (i32, i32) {
    %c0_i32 = arith.constant 0 : i32
    %c0_i32_0 = arith.constant 0 : i32
    %c0_i32_1 = arith.constant 0 : i32
    return %c0_i32, %c0_i32_0 : i32, i32
  }
  func.func @transform_1(%arg0: i32) -> (i32, i32) {
    %c0_i32 = arith.constant 0 : i32
    %c0_i32_0 = arith.constant 0 : i32
    %c0_i32_1 = arith.constant 0 : i32
    return %c0_i32, %c0_i32_0 : i32, i32
  }
  func.func @transform_2(%arg0: i32) -> (i32, i32, i32) {
    %c0_i32 = arith.constant 0 : i32
    %c0_i32_0 = arith.constant 0 : i32
    %c0_i32_1 = arith.constant 0 : i32
    return %arg0, %c0_i32, %c0_i32_0 : i32, i32, i32
  }
  func.func @transform_3(%arg0: i32) -> (i32, i32) {
    %c0_i32 = arith.constant 0 : i32
    %c0_i32_0 = arith.constant 0 : i32
    return %arg0, %c0_i32 : i32, i32
  }
}

</mosaic_0001>

<sc_bundles>
// kernel: kernel.4.cloned.1.call-start
scs
__scs_entry_jumppad:
0x0: {  	(pc) =	sbr.rel $0x88, $3  }
0x1: {  	(tag) =	ssettag $0x0;
	lr =	simm.s32 $0x1  }
0x2: {  	[smem:$0x3F9B] =	sst lr;
	_ =	strace $0xD0000000  }
0x3: {  	_ = 	snop  }
0x4: {  	_ = 	snop  }
0x5: {  	_ = 	snop  }
0x6: {  	_ = 	snop  }
0x7: {  	_ = 	snop  }
__scs_overlays_trampoline_lowered:
0x8: {  	[smem:$0x3FAA] =	sst s0  }
0x9: {  	[smem:$0x3FAB] =	sst s1  }
0xa: {  	[smem:$0x3FAC] =	sst s2  }
0xb: {  	[smem:$0x3FAD] =	sst s3  }
0xc: {  	[smem:$0x3FAE] =	sst s4  }
0xd: {  	[smem:$0x3FAF] =	sst s5  }
0xe: {  	[smem:$0x3FB0] =	sst s6  }
0xf: {  	[smem:$0x3FB1] =	sst s7  }
0x10: {  	[smem:$0x3FB2] =	sst s8  }
0x11: {  	[smem:$0x3FB3] =	sst s9;
	s0 =	simm.s32 @!p0 $0x0  }
0x12: {  	s1 =	sld [smem:$0x3F99];
	s0 =	simm.s32 @p0 $0x1  }
0x13: {  	[smem:$0x3FB4] =	sst s0;
	s0 =	simm.s32 @!p1 $0x0  }
0x14: {  	s2 =	sld [smem:$0x3F98];
	s0 =	simm.s32 @p1 $0x1  }
0x15: {  	[smem:$0x3FB5] =	sst s0;
	s0 =	simm.s32 @!p2 $0x0  }
0x16: {  	s3 =	sld [smem:$0x3FDB];
	s0 =	simm.s32 @p2 $0x1  }
0x17: {  	s4 =	simm.s32 $0x1BF5;
	[smem:$0x3FB7] =	sst s0  }
0x18: {  	s0 =	sld [smem:$0x3F9A];
	_ =	swait.ge [sflag:s4], $0x0  }
0x19: {  	s7 =	sld [smem:$0x3F9B]  }
0x1a: {  	s8 =	sadd.s32 $0xFFFFE003, lr  }
0x1b: {  	s9 =	sadd.s32 $0xFFFFFEF7, lr;
	s5 =	simm.s32 $0xFFFFFFFF;
	p2 =	slt.u32 s8, $0xFFFFF086  }
0x1c: {  	p1 =	slt.u32 s9, $0xF7A;
	s5 =	simm.s32 @!p2 $0x0  }
0x1d: {  	s5 =	simm.s32 @p1 $0x1;
	p0 =	seq.s32 s7, s2  }
0x1e: {  	s7 =	smul.u32 @!p0 $0xF7A, s2;
	p2 =	seq.s32 @!p0 s5, $0x0  }
0x1f: {  	s9 =	smul.u32 $0xF7A, s1;
	s8 =	simm.s32 @!p0 $0x1BF5;
	p2 =	por !p2, p0  }
0x20: {  	[sflag:s8] =	ssyncset.s32 @!p0 $0xFFFFF086;
	s6 =	sadd.s32 @!p0 s3, s7;
	s7 =	simm.s32 @!p0 $0x108  }
0x21: {  	s3 =	sadd.s32 s3, s9;
	s6 =	sadd.s32 @!p0 $0x88, s6;
	s7 =	simm.s32 @p2 $0x1082  }
0x22: {  	[simem:s7], [sflag:s8] =	dma.local @!p0 [hbm:s6], $0xF7A  }
0x23: {  	s9 =	sor.u32 $0xD0000000, s2;
	s6 =	simm.s32 $0x108;
	_ =	swait.ge @!p0 [sflag:s8], $0x0  }
0x24: {  	s3 =	sadd.s32 $0x88, s3;
	s6 =	simm.s32 @!p1 $0x1082;
	[sflag:s4] =	ssyncset.s32 $0xFFFFF086  }
0x25: {  	[simem:s6], [sflag:s4] =	dma.local [hbm:s3], $0xF7A  }
0x26: {  	[smem:$0x3F9B] =	sst s1;
	(tag) =	ssettag s2;
	_ =	strace s9  }
0x27: {  	s1 =	sld [smem:$0x3FAB]  }
0x28: {  	s2 =	sld [smem:$0x3FAC]  }
0x29: {  	s4 =	sld [smem:$0x3FAE]  }
0x2a: {  	p0 =	seq.s32 s5, $0x0;
	s5 =	sld [smem:$0x3FAF]  }
0x2b: {  	s6 =	sld [smem:$0x3FB0]  }
0x2c: {  	s7 =	sld [smem:$0x3FB1]  }
0x2d: {  	s3 =	simm.s32 $0x108;
	s8 =	sld [smem:$0x3FB2]  }
0x2e: {  	s3 =	simm.s32 @!p0 $0x1082;
	s9 =	sld [smem:$0x3FB3]  }
0x2f: {  	lr =	sadd.s32 s0, s3;
	s0 =	sld [smem:$0x3FAA]  }
0x30: {  	s3 =	sld [smem:$0x3FAD]  }
0x31: {  	[smem:$0x3FB6] =	sst s10  }
0x32: {  	s10 =	sld [smem:$0x3FB4];
	_ =	sdelay $0x3  }
0x33: {  	p0 =	seq.s32 s10, $0x1;
	s10 =	sld [smem:$0x3FB6];
	_ =	sdelay $0x3  }
0x34: {  	[smem:$0x3FB6] =	sst s10  }
0x35: {  	s10 =	sld [smem:$0x3FB5];
	_ =	sdelay $0x3  }
0x36: {  	p1 =	seq.s32 s10, $0x1;
	s10 =	sld [smem:$0x3FB6];
	_ =	sdelay $0x3  }
0x37: {  	[smem:$0x3FB6] =	sst s10  }
0x38: {  	s10 =	sld [smem:$0x3FB7]  }
0x39: {  	_ = 	snop;
	(pc) =	sbr.ind lr, $3  }
0x3a: {  	_ = 	snop  }
0x3b: {  	_ = 	snop  }
0x3c: {  	p2 =	seq.s32 s10, $0x1;
	s10 =	sld [smem:$0x3FB6]  }
0x3d: {  	_ =	shalt  }
0x3e: {  	_ =	shalt  }
0x3f: {  	_ =	shalt  }
0x40: {  	_ =	shalt  }
0x41: {  	_ =	shalt  }
0x42: {  	_ =	shalt  }
0x43: {  	_ =	shalt  }
0x44: {  	_ =	shalt  }
0x45: {  	_ =	shalt  }
0x46: {  	_ =	shalt  }
0x47: {  	_ =	shalt  }
0x48: {  	_ =	shalt  }
0x49: {  	_ =	shalt  }
0x4a: {  	_ =	shalt  }
0x4b: {  	_ =	shalt  }
0x4c: {  	_ =	shalt  }
0x4d: {  	_ =	shalt  }
0x4e: {  	_ =	shalt  }
0x4f: {  	_ =	shalt  }
0x50: {  	_ =	shalt  }
0x51: {  	_ =	shalt  }
0x52: {  	_ =	shalt  }
0x53: {  	_ =	shalt  }
0x54: {  	_ =	shalt  }
0x55: {  	_ =	shalt  }
0x56: {  	_ =	shalt  }
0x57: {  	_ =	shalt  }
0x58: {  	_ =	shalt  }
0x59: {  	_ =	shalt  }
0x5a: {  	_ =	shalt  }
0x5b: {  	_ =	shalt  }
0x5c: {  	_ =	shalt  }
0x5d: {  	_ =	shalt  }
0x5e: {  	_ =	shalt  }
0x5f: {  	_ =	shalt  }
0x60: {  	_ =	shalt  }
0x61: {  	_ =	shalt  }
0x62: {  	_ =	shalt  }
0x63: {  	_ =	shalt  }
0x64: {  	_ =	shalt  }
0x65: {  	_ =	shalt  }
0x66: {  	_ =	shalt  }
0x67: {  	_ =	shalt  }
0x68: {  	_ =	shalt  }
0x69: {  	_ =	shalt  }
0x6a: {  	_ =	shalt  }
0x6b: {  	_ =	shalt  }
0x6c: {  	_ =	shalt  }
0x6d: {  	_ =	shalt  }
0x6e: {  	_ =	shalt  }
0x6f: {  	_ =	shalt  }
0x70: {  	_ =	shalt  }
0x71: {  	_ =	shalt  }
0x72: {  	_ =	shalt  }
0x73: {  	_ =	shalt  }
0x74: {  	_ =	shalt  }
0x75: {  	_ =	shalt  }
0x76: {  	_ =	shalt  }
0x77: {  	_ =	shalt  }
0x78: {  	_ =	shalt  }
0x79: {  	_ =	shalt  }
0x7a: {  	_ =	shalt  }
0x7b: {  	_ =	shalt  }
0x7c: {  	_ =	shalt  }
0x7d: {  	_ =	shalt  }
0x7e: {  	_ =	shalt  }
0x7f: {  	_ =	shalt  }
0x80: {  	_ =	shalt  }
0x81: {  	_ =	shalt  }
0x82: {  	_ =	shalt  }
0x83: {  	_ =	shalt  }
0x84: {  	_ =	shalt  }
0x85: {  	_ =	shalt  }
0x86: {  	_ =	shalt  }
0x87: {  	_ =	shalt  }
.Lfunc_end0:
.L_simem_size_0:
called_computation_lowered:
.L_overlay_start_0:
0x88: {  	s2 =	sld [smem:$0x3FD9]  }
0x89: {  	s3 =	sld [smem:$0x3FFE];
	_ =	sdelay $0x1  }
0x8a: {  	s1 =	srdreg.scid  }
0x8b: {  	s0 =	sand.u32 $0x1, s1  }
0x8c: {  	s18 =	sshll.u32 s0, $0xA;
	s2 =	sadd.s32 s3, s2  }
0x8d: {  	s2 =	sadd.s32 s2, s18  }
0x8e: {  	[smem:$0x3FC2] =	sst s2  }
0x8f: {  	_ = 	snop  }
0x90: {  	s2 =	sld [smem:$0x3FC9]  }
0x91: {  	s19 =	sld [smem:$0x3FC8]  }
0x92: {  	s4 =	sld [smem:$0x3FC5]  }
0x93: {  	s5 =	sld [smem:$0x3FC4]  }
0x94: {  	s6 =	sld [smem:$0x3FD0];
	(tm) =	ssettm $0x1  }
0x95: {  	s7 =	sld [smem:$0x3FFB];
	_ =	sdelay $0x3  }
0x96: {  	_ =	strace s7  }
0x97: {  	s7 =	sld [smem:$0x3FFC];
	_ =	sdelay $0x3  }
0x98: {  	_ =	strace s7  }
0x99: {  	s7 =	sld [smem:$0x3FFD];
	_ =	sdelay $0x3  }
0x9a: {  	_ =	strace s7  }
0x9b: {  	_ =	strace $0x8FFFFFFF  }
0x9c: {  	s20 =	sld [smem:$0x3FDB];
	_ =	sdelay $0x1  }
0x9d: {  	s8 =	simm.s32 $_scs_section_size  }
0x9e: {  	s9 =	simm.s32 $_size__tile_overlayer_lowered;
	s10 =	simm.s32 $_tile_overlayer_lowered  }
0x9f: {  	s23 =	simm.s32 $0x1BFF;
	s22 =	sshll.u32 s10, $0x1;
	s7 =	sadd.s32 s8, s20  }
0xa0: {  	s11 =	simm.s32 $0x0;
	s21 =	sshll.u32 s9, $0x1;
	s9 =	sadd.s32 s22, s7  }
0xa1: {  	[timem:s11], [sflag:s23] =	dma.local [hbm:s9], s21  }
0xa2: {  	_ =	swait.ge [sflag:s23], s21  }
0xa3: {  	s8 =	ssub.s32 $0x0, s21;
	[sflag:s23] =	ssyncset.done $0x0  }
0xa4: {  	[sflag:s23] =	ssyncadd.s32 s8;
	_ =	sdelay $0x1  }
0xa5: {  	s24 =	simm.s32 $0x1B8B  }
0xa6: {  	_ =	swait.ge [sflag:s24], $0x1  }
0xa7: {  	[sflag:s24] =	ssyncset.done $0x0  }
0xa8: {  	s25 =	simm.s32 $0x1B8E;
	[sflag:s24] =	ssyncadd.s32 $0xFFFFFFFF  }
0xa9: {  	s26 =	simm.s32 $execute0_lowered;
	[smem:$0x3FD2] =	sst s25  }
0xaa: {  	s8 =	sshll.u32 s26, $0x1;
	_ =	strace $0x80000046;
	[dreg:$0x1] =	wrdreg $0xFFFFFFFF  }
0xab: {  	s28 =	simm.s32 $_size_execute0_lowered;
	s7 =	sadd.s32 s7, s8;
	[dreg:$0x0] =	wrdreg $0x0  }
0xac: {  	s8 =	sshll.u32 s28, $0x1;
	[dreg:$0x2] =	wrdreg s7  }
0xad: {  	[dreg:$0x3] =	wrdreg s8  }
0xae: {  	[dreg:$0x4] =	wrdreg $0xC0  }
0xaf: {  	_ =	task [dreg:s11], $0x5FFFF  }
0xb0: {  	[dreg:$0x1] =	wrdreg $0xFFFFFFFF  }
0xb1: {  	[dreg:$0x0] =	wrdreg $0x60  }
0xb2: {  	[dreg:$0x2] =	wrdreg s2  }
0xb3: {  	[dreg:$0x3] =	wrdreg s19  }
0xb4: {  	[dreg:$0x4] =	wrdreg s4  }
0xb5: {  	[dreg:$0x5] =	wrdreg s5  }
0xb6: {  	[dreg:$0x6] =	wrdreg s6  }
0xb7: {  	[dreg:$0x7] =	wrdreg $0x9  }
0xb8: {  	_ =	task.clear_ibuf [dreg:s11], $0x8FFFF;
	_ =	strace $0x90000046  }
0xb9: {  	s29 =	simm.s32 $0x9;
	_ =	strace $0x80000048  }
0xba: {  	_ =	swait.ge [sflag:s29], $0x1  }
0xbb: {  	[sflag:s29] =	ssyncadd.s32 $0xFFFFFFFF  }
0xbc: {  	_ =	strace $0x90000048  }
0xbd: {  	_ =	sfence  }
0xbe: {  	s30 =	sld [smem:$0x0];
	_ =	sdelay $0x2  }
0xbf: {  	s31 =	sshll.u32 s1, $0xD;
	s1 =	sshrl.u32 s1, $0x2  }
0xc0: {  	s3 =	sand.u32 $0x4000, s31;
	s1 =	sadd.s32 s1, s30  }
0xc1: {  	s0 =	sor.u32 s3, s0;
	s1 =	sshll.u32 s1, $0x11  }
0xc2: {  	s0 =	sor.u32 s1, s0  }
0xc3: {  	s0 =	sadd.s32 $0x8F2B, s0  }
0xc4: {  	[sflag:s0] =	ssyncadd.remote.s32 $0x1  }
0xc5: {  	_ =	sfence.sel $0xFFFF  }
0xc6: {  	[dreg:$0x0] =	wrdreg $0xFFFFFFFF;
	(pc) =	sbr.abs _section_cstart, $3  }
0xc7: {  	[dreg:$0x1] =	wrdreg $0xFFFFFFFF  }
0xc8: {  	_ =	task.clear_ibuf [dreg:s11], $0x2FFFF;
	_ =	strace $0x9FFFFFFF  }
0xc9: {  	(tm) =	ssettm $0x7FFFFFFF  }
tec
execute0_lowered:
.L_overlay_start_1:
0x0: {  	(tag) =	ssettag $0x1  }
0x1: {  	s6 =	rddreg [dreg:$0x0]  }
0x2: {  	s5 =	rddreg [dreg:$0x1]  }
0x3: {  	s1 =	rddreg [dreg:$0x2]  }
0x4: {  	s3 =	rddreg [dreg:$0x3];
	s2 =	srdreg.scid  }
0x5: {  	s0 =	stileid.u32;
	s7 =	rddreg [dreg:$0x4];
	s4 =	simm.s32 $0x0  }
0x6: {  	s11 =	simm.s32 $0x2780;
	s12 =	simm.s32 $0x1;
	s13 =	simm.s32 $0x2  }
0x7: {  	s14 =	simm.s32 $0x3;
	s15 =	simm.s32 $0x4;
	s16 =	simm.s32 $0x4F00  }
0x8: {  	s17 =	simm.s32 $0x5;
	s8 =	sand.u32 $0x1, s2;
	s9 =	sshll.u32 s0, $0x1  }
0x9: {  	s18 =	simm.s32 $0x0;
	s9 =	sor.u32 s8, s9;
	s8 =	ssub.s32 $0x2, s8  }
0xa: {  	[smem:$0x7FF] =	sst s4;
	s9 =	smul.u32 $0x4E2, s9;
	s10 =	sshrl.u32 s8, $0x1  }
0xb: {  	s2 =	rddreg [dreg:$0x5];
	_ =	strace $0x80000047;
	s8 =	ssub.s32 s8, s10  }
0xc: {  	s10 =	simm.s32 $0x7A80;
	s5 =	sadd.s32 s5, s9;
	s6 =	sadd.s32 s6, s9  }
0xd: {  	s7 =	sadd.s32 s7, s9;
	s8 =	smax.u32 s8, $0x1;
	s9 =	simm.s32 $0x7680  }
.LBB2_1:
0xe: {  	[tilespmem:s9], [sflag:$0x1] =	stream.linear.gather [hbm4b:s1+s4], $0x400, $0x38;
	[tilespmem:$0x7E80] =	vst v63  }
0xf: {  	_ = 	snop  }
0x10: {  	[tilespmem:s10], [sflag:$0x2] =	stream.linear.gather [hbm4b:s3+s4], $0x400, $0x38;
	[tilespmem:$0x7E80] =	vst v63  }
0x11: {  	_ = 	snop  }
0x12: {  	[tilespmem:s4], [sflag:$0x3] =	stream.linear.gather [hbm4b:s5+s4], $0x2710, $0x38;
	[tilespmem:$0x7E80] =	vst v63  }
0x13: {  	_ = 	snop  }
0x14: {  	[tilespmem:s11], [sflag:$0x4] =	stream.linear.gather [hbm4b:s6+s4], $0x2710, $0x38;
	[tilespmem:$0x7E80] =	vst v63  }
0x15: {  	_ =	swait.ge [sflag:s12], $0x400  }
0x16: {  	[sflag:s12] =	ssyncset.done $0x0  }
0x17: {  	[sflag:s12] =	ssyncadd.s32 $0xFFFFFC00  }
0x18: {  	_ =	swait.ge [sflag:s13], $0x400  }
0x19: {  	[sflag:s13] =	ssyncset.done $0x0  }
0x1a: {  	[sflag:s13] =	ssyncadd.s32 $0xFFFFFC00  }
0x1b: {  	_ =	swait.ge [sflag:s14], $0x2710  }
0x1c: {  	[sflag:s14] =	ssyncset.done $0x0  }
0x1d: {  	[sflag:s14] =	ssyncadd.s32 $0xFFFFD8F0  }
0x1e: {  	_ =	swait.ge [sflag:s15], $0x2710  }
0x1f: {  	[sflag:s15] =	ssyncset.done $0x0  }
0x20: {  	s19 =	simm.s32 $0x40;
	[sflag:s15] =	ssyncadd.s32 $0xFFFFD8F0  }
0x21: {  	v0 =	vld [tilespmem:s19+$0x30]  }
0x22: {  	v1 =	vld [tilespmem:s19+$0xFFFFFFD0]  }
0x23: {  	v2 =	vld [tilespmem:s19+$0xFFFFFFE0]  }
0x24: {  	v4 =	vld [tilespmem:s19+$0xFFFFFFF0]  }
0x25: {  	v6 =	vld [tilespmem:s19+$0x0]  }
0x26: {  	v9 =	vld [tilespmem:s19+$0x10]  }
0x27: {  	v11 =	vld [tilespmem:s19+$0x20]  }
0x28: {  	v3 =	vld [tilespmem:s19+$0xFFFFFFC0];
	s19 =	simm.s32 $0x27C0  }
0x29: {  	v7 =	vld [tilespmem:s19+$0x30]  }
0x2a: {  	v18 =	vld [tilespmem:s19+$0xFFFFFFC0]  }
0x2b: {  	v19 =	vld [tilespmem:s19+$0xFFFFFFD0]  }
0x2c: {  	v20 =	vld [tilespmem:s19+$0xFFFFFFE0]  }
0x2d: {  	v21 =	vld [tilespmem:s19+$0xFFFFFFF0]  }
0x2e: {  	v22 =	vld [tilespmem:s19+$0x0]  }
0x2f: {  	v23 =	vld [tilespmem:s19+$0x10]  }
0x30: {  	v24 =	vld [tilespmem:s19+$0x20]  }
0x31: {  	v5 =	vld.idx.msk [tilespmem:v0+s9+$0x0], $0xffff  }
0x32: {  	v0 =	vld.idx.msk [tilespmem:v0+s10+$0x0], $0xffff  }
0x33: {  	v8 =	vld.idx.msk [tilespmem:v1+s9+$0x0], $0xffff  }
0x34: {  	v12 =	vld.idx.msk [tilespmem:v2+s9+$0x0], $0xffff  }
0x35: {  	v13 =	vld.idx.msk [tilespmem:v4+s9+$0x0], $0xffff  }
0x36: {  	v14 =	vld.idx.msk [tilespmem:v6+s9+$0x0], $0xffff  }
0x37: {  	v15 =	vld.idx.msk [tilespmem:v3+s9+$0x0], $0xffff  }
0x38: {  	v16 =	vld.idx.msk [tilespmem:v9+s9+$0x0], $0xffff  }
0x39: {  	v17 =	vld.idx.msk [tilespmem:v11+s9+$0x0], $0xffff  }
0x3a: {  	v25 =	vld.idx.msk [tilespmem:v3+s10+$0x0], $0xffff  }
0x3b: {  	v10 =	vld.idx.msk [tilespmem:v1+s10+$0x0], $0xffff  }
0x3c: {  	v3 =	vld.idx.msk [tilespmem:v2+s10+$0x0], $0xffff  }
0x3d: {  	v9 =	vld.idx.msk [tilespmem:v9+s10+$0x0], $0xffff;
	v5 =	vmul.f32 v7, v5  }
0x3e: {  	v15 =	vmul.f32 v18, v15;
	v7 =	vld.idx.msk [tilespmem:v6+s10+$0x0], $0xffff  }
0x3f: {  	v8 =	vmul.f32 v19, v8;
	v6 =	vmul.f32 v21, v13;
	v0 =	vadd.f32 v5, v0;
	v5 =	vld.idx.msk [tilespmem:v4+s10+$0x0], $0xffff  }
0x40: {  	s20 =	simm.s32 $0x4F40;
	v11 =	vld.idx.msk [tilespmem:v11+s10+$0x0], $0xffff;
	v1 =	vmul.f32 v22, v14;
	v2 =	vmul.f32 v23, v16  }
0x41: {  	s21 =	simm.s32 $0x0;
	s22 =	simm.s32 $0xC0;
	v4 =	vmul.f32 v20, v12;
	v12 =	vadd.f32 v15, v25;
	[tilespmem:s20+$0x30] =	vst v0;
	v0 =	vmul.f32 v24, v17  }
.LBB2_2:
0x42: {  	v13 =	vld [tilespmem:s22+$0x30];
	s21 =	sadd.s32 $0x8, s21;
	v8 =	vadd.f32 v8, v10  }
0x43: {  	v3 =	vadd.f32 v4, v3;
	v10 =	vld [tilespmem:s22+$0xFFFFFFD0];
	p0 =	slt.u32 s21, $0x268;
	[tilespmem:s20+$0xFFFFFFC0] =	vst v12  }
0x44: {  	v4 =	vadd.f32 v6, v5;
	v12 =	vld [tilespmem:s22+$0xFFFFFFE0];
	[tilespmem:s20+$0xFFFFFFD0] =	vst v8  }
0x45: {  	v1 =	vadd.f32 v1, v7;
	v5 =	vld [tilespmem:s22+$0xFFFFFFF0];
	[tilespmem:s20+$0xFFFFFFE0] =	vst v3  }
0x46: {  	v2 =	vadd.f32 v2, v9;
	v7 =	vld [tilespmem:s22+$0x0];
	[tilespmem:s20+$0xFFFFFFF0] =	vst v4  }
0x47: {  	v0 =	vadd.f32 v0, v11;
	v9 =	vld [tilespmem:s22+$0x10];
	[tilespmem:s20+$0x0] =	vst v1  }
0x48: {  	v11 =	vld [tilespmem:s22+$0x20];
	[tilespmem:s20+$0x10] =	vst v2  }
0x49: {  	v1 =	vld [tilespmem:s22+$0xFFFFFFC0];
	[tilespmem:s20+$0x20] =	vst v0  }
0x4a: {  	s19 =	sadd.s32 $0x80, s19;
	v0 =	vld.idx.msk [tilespmem:v13+s9+$0x0], $0xffff  }
0x4b: {  	v2 =	vld [tilespmem:s19+$0x30]  }
0x4c: {  	v3 =	vld.idx.msk [tilespmem:v13+s10+$0x0], $0xffff  }
0x4d: {  	v4 =	vld.idx.msk [tilespmem:v10+s9+$0x0], $0xffff  }
0x4e: {  	v6 =	vld.idx.msk [tilespmem:v12+s9+$0x0], $0xffff  }
0x4f: {  	v13 =	vld.idx.msk [tilespmem:v5+s9+$0x0], $0xffff  }
0x50: {  	v14 =	vld.idx.msk [tilespmem:v7+s9+$0x0], $0xffff;
	v0 =	vmul.f32 v2, v0  }
0x51: {  	v2 =	vld.idx.msk [tilespmem:v1+s9+$0x0], $0xffff  }
0x52: {  	v15 =	vld.idx.msk [tilespmem:v9+s9+$0x0], $0xffff;
	v0 =	vadd.f32 v0, v3  }
0x53: {  	s20 =	sadd.s32 $0x80, s20;
	v16 =	vld.idx.msk [tilespmem:v11+s9+$0x0], $0xffff  }
0x54: {  	v3 =	vld [tilespmem:s19+$0xFFFFFFC0];
	[tilespmem:s20+$0x30] =	vst v0  }
0x55: {  	v0 =	vld [tilespmem:s19+$0xFFFFFFD0]  }
0x56: {  	v17 =	vld [tilespmem:s19+$0xFFFFFFE0]  }
0x57: {  	v18 =	vld [tilespmem:s19+$0xFFFFFFF0]  }
0x58: {  	v19 =	vld [tilespmem:s19+$0x0]  }
0x59: {  	v20 =	vmul.f32 v3, v2;
	v2 =	vld [tilespmem:s19+$0x10]  }
0x5a: {  	v8 =	vmul.f32 v0, v4;
	v0 =	vld [tilespmem:s19+$0x20]  }
0x5b: {  	v21 =	vld.idx.msk [tilespmem:v1+s10+$0x0], $0xffff;
	v4 =	vmul.f32 v17, v6  }
0x5c: {  	v10 =	vld.idx.msk [tilespmem:v10+s10+$0x0], $0xffff;
	v6 =	vmul.f32 v18, v13  }
.Ltmp0:
0x5d: {  	v3 =	vld.idx.msk [tilespmem:v12+s10+$0x0], $0xffff;
	v1 =	vmul.f32 v19, v14;
	(pc) =	sbr.rel @p0 .LBB2_2-.Ltmp0, $4  }
0x5e: {  	v5 =	vld.idx.msk [tilespmem:v5+s10+$0x0], $0xffff;
	v2 =	vmul.f32 v2, v15  }
0x5f: {  	v7 =	vld.idx.msk [tilespmem:v7+s10+$0x0], $0xffff;
	v0 =	vmul.f32 v0, v16  }
0x60: {  	v9 =	vld.idx.msk [tilespmem:v9+s10+$0x0], $0xffff  }
0x61: {  	s22 =	sadd.s32 $0x80, s22;
	v12 =	vadd.f32 v20, v21;
	v11 =	vld.idx.msk [tilespmem:v11+s10+$0x0], $0xffff  }
0x62: {  	v8 =	vadd.f32 v8, v10  }
0x63: {  	v3 =	vadd.f32 v4, v3;
	[tilespmem:s20+$0xFFFFFFC0] =	vst v12  }
0x64: {  	v63 =	vadd.f32 v6, v5;
	[tilespmem:s20+$0xFFFFFFD0] =	vst v8  }
0x65: {  	[tilespmem:s20+$0xFFFFFFE0] =	vst v3;
	v1 =	vadd.f32 v1, v7  }
0x66: {  	[tilespmem:s20+$0xFFFFFFF0] =	vst v63;
	v2 =	vadd.f32 v2, v9  }
0x67: {  	[tilespmem:s20+$0x0] =	vst v1;
	v0 =	vadd.f32 v0, v11  }
0x68: {  	[tilespmem:s20+$0x10] =	vst v2  }
0x69: {  	[tilespmem:s20+$0x20] =	vst v0  }
0x6a: {  	v0 =	vld [tilespmem:$0x2700];
	_ =	sdelay $0x6  }
0x6b: {  	v2 =	vld [tilespmem:$0x4E80]  }
0x6c: {  	v1 =	vld.idx.msk [tilespmem:v0+s9+$0x0], $0xffff;
	_ =	sdelay $0x1  }
0x6d: {  	v0 =	vld.idx.msk [tilespmem:v0+s10+$0x0], $0xffff;
	_ =	sdelay $0x2  }
0x6e: {  	v1 =	vmul.f32 v2, v1;
	_ =	sdelay $0x1  }
0x6f: {  	s18 =	sadd.s32 $0x1, s18;
	v0 =	vadd.f32 v1, v0  }
0x70: {  	p0 =	sne.s32 s18, s8  }
.Ltmp1:
0x71: {  	[tilespmem:$0x7600] =	vst v0;
	(pc) =	sbr.rel @p0 .LBB2_1-.Ltmp1, $4  }
0x72: {  	[hbm4b:s7+s4] =	stream.linear.scatter [tilespmem:s16], [sflag:$0x5], $0x2710, $0x38;
	[tilespmem:$0x7E80] =	vst v63  }
0x73: {  	_ =	swait.ge [sflag:s17], $0x2710  }
0x74: {  	[sflag:s17] =	ssyncset.done $0x0  }
0x75: {  	[sflag:s17] =	ssyncadd.s32 $0xFFFFD8F0  }
0x76: {  	_ =	sfence.sel $0x180000  }
0x77: {  	[bflag:$0x0] =	sbarrier.arrive $0xFFFF  }
0x78: {  	p0 =	sne.s32 s0, $0x0;
	_ =	strace $0x90000047  }
0x79: {  	s0 =	sadd.s32 @!p0 $0x100000, s2;
	[bflag:$0x2] =	sbarrier.arrive $0xFFFF  }
0x7a: {  	[sflag:s0] =	ssyncadd.tile.s32 @!p0 $0x1;
	_ =	shalt  }
.Lfunc_end2:
_tile_overlayer_lowered:
.L_overlay_start_2:
0x7b: {  	(tag) =	ssettag $0x2  }
0x7c: {  	s0 =	rddreg [dreg:$0x0];
	s2 =	stileid.u32  }
0x7d: {  	s1 =	rddreg [dreg:$0x1];
	p0 =	sne.s32 s2, $0x0  }
0x7e: {  	s3 =	rddreg [dreg:$0x2];
	[bflag:$0x3] =	sbarrier.arrive $0xFFFF;
	s2 =	simm.s32 @!p0 $0x1C05  }
0x7f: {  	[timem:s3], [sflag:s2] =	dma.local @!p0 [hbm:s0], s1  }
0x80: {  	s0 =	simm.s32 @!p0 $0x5  }
0x81: {  	_ =	swait.ge @!p0 [sflag:s0], s1  }
0x82: {  	s1 =	ssub.s32 @!p0 $0x0, s1;
	[sflag:s0] =	ssyncset.done @!p0 $0x0  }
0x83: {  	[sflag:s0] =	ssyncadd.s32 @!p0 s1  }
0x84: {  	[bflag:$0x3] =	sbarrier.arrive $0xFFFF  }
0x85: {  	_ =	shalt  }

</sc_bundles>
